<compile_context>
chip_gen: v7x
topology: tpu7x:2x2x1
jax: 0.10.2.dev20260603
libtpu: 0.0.44.dev20260713+nightly
codegen_flags: <defaults>
</compile_context>

<pallas_src>
import jax
import jax.numpy as jnp
from jax import lax
from jax.experimental import pallas as pl
from jax.experimental.pallas import tpu as pltpu
from jax.experimental.pallas import tpu_sc as plsc

N = 10000
E = 320000
D = 128

NC = 2
NS = 16
NW = NC * NS
EPT = E // NW
CHUNK = 80
NCHUNK = EPT // CHUNK
NBUF = 5
STRIPE = 128
NSTRIPE = N // STRIPE


def _each_my_stripe(s, fn):
    for k in range(NSTRIPE // NS):
        fn(pl.multiple_of((s + NS * k) * STRIPE, STRIPE), STRIPE)

    @pl.when(s < NSTRIPE - 4 * NS)
    def _():
        fn(pl.multiple_of((s + 4 * NS) * STRIPE, STRIPE), STRIPE)

    @pl.when(s == 14)
    def _():
        fn(NSTRIPE * STRIPE, 16)


def _sc_scatter_body(xw_hbm, ei_hbm, out_hbm,
                     src_v, dst_v, dst2_v, rows_v, zero_v, agg_sh, *sems):
    gsem = sems[:NBUF]
    ssem = sems[NBUF:]
    c = lax.axis_index("c")
    s = lax.axis_index("s")

    def _zrow(i, _):
        def _zcol(j, _):
            zero_v[i, pl.ds(j * 16, 16)] = jnp.zeros((16,), jnp.int32)
            return 0
        return lax.fori_loop(0, D // 64, _zcol, 0)
    lax.fori_loop(0, 2 * STRIPE, _zrow, 0)

    def _zinit(off, nrows):
        pass
    _each_my_stripe(s, _zinit)
    plsc.subcore_barrier()

    base = pl.multiple_of((c * NS + s) * EPT, 8)
    pltpu.sync_copy(ei_hbm.at[1, pl.ds(base, EPT)], src_v)
    pltpu.sync_copy(ei_hbm.at[0, pl.ds(base, EPT)], dst_v)

    iota16 = lax.iota(jnp.int32, 16)

    def _gather(i, b):
        pltpu.async_copy(xw_hbm.at[src_v.at[pl.ds(i * CHUNK, CHUNK)]],
                         rows_v.at[b], gsem[b])

    def _wait_gather(i, b):
        pltpu.make_async_copy(xw_hbm.at[src_v.at[pl.ds(i * CHUNK, CHUNK)]],
                              rows_v.at[b], gsem[b]).wait()

    def _mk_dst2(i, b):
        for j in range(CHUNK // 16):
            v = dst_v[pl.ds(i * CHUNK + j * 16, 16)]
            w = v + v
            pos = iota16 + iota16 + (j * 32)
            plsc.store_scatter(dst2_v.at[b], [pos], w)
            plsc.store_scatter(dst2_v.at[b], [pos + 1], w + 1)

    def _scatter(i, b):
        pass

    def _wait_scatter(i, b):
        pass

    for b in range(NBUF - 1):
        _gather(b, b)

    def body(jo, _):
        for b0 in range(NBUF):
            i = jo * NBUF + b0
            b = b0
            _wait_gather(i, b)
            _scatter(i, b)

            @pl.when(i >= 1)
            def _():
                _wait_scatter(i - 1, (b - 1) % NBUF)

            @pl.when(i + NBUF - 1 < NCHUNK)
            def _():
                _gather(i + NBUF - 1, (b - 1) % NBUF)
        return 0
    lax.fori_loop(0, NCHUNK // NBUF, body, 0)
    _wait_scatter(NCHUNK - 1, (NCHUNK - 1) % NBUF)
    plsc.subcore_barrier()

    def _wb(off, nrows):
        pass
    _each_my_stripe(s, _wb)


def _sc_scatter(xw, edge_index):
    mesh = plsc.VectorSubcoreMesh(core_axis_name="c", subcore_axis_name="s")
    return pl.kernel(
        _sc_scatter_body,
        out_type=jax.ShapeDtypeStruct((NC, 2 * N, D // 2), jnp.int32),
        mesh=mesh,
        compiler_params=pltpu.CompilerParams(use_tc_tiling_on_sc=False),
        scratch_types=[
            pltpu.VMEM((EPT,), jnp.int32),
            pltpu.VMEM((EPT,), jnp.int32),
            pltpu.VMEM((NBUF, 2 * CHUNK), jnp.int32),
            pltpu.VMEM((NBUF, CHUNK, D // 2), jnp.int32),
            pltpu.VMEM((2 * STRIPE, D // 2), jnp.int32),
            pltpu.VMEM_SHARED((16, D // 2), jnp.int32),
        ] + [pltpu.SemaphoreType.DMA] * (2 * NBUF),
    )(xw, edge_index)


def _tc_body(p_ref, w_ref, o_ref):
    p = p_ref[...].astype(jnp.float32)
    y = jnp.dot(p[0] + p[1], w_ref[...], preferred_element_type=jnp.float32)
    o_ref[...] = jax.nn.sigmoid(y)


def _tc_combine(part, w):
    blk = 1000
    grid = N // blk
    return pl.pallas_call(
        _tc_body,
        grid=(grid,),
        in_specs=[
            pl.BlockSpec((NC, blk, D), lambda i: (0, i, 0)),
            pl.BlockSpec((D, D), lambda i: (0, 0)),
        ],
        out_specs=pl.BlockSpec((blk, D), lambda i: (i, 0)),
        out_shape=jax.ShapeDtypeStruct((N, D), jnp.float32),
    )(part, w)


@jax.jit
def kernel(inputs, edge_index, weight):
    xb = inputs.astype(jnp.bfloat16)
    xw = jax.lax.bitcast_convert_type(xb.reshape(N, D // 2, 2), jnp.int32)
    part = _sc_scatter(xw, edge_index)
    return _tc_combine(part.reshape(NC, N, D), weight)

# --- scband reference (transcript-rebuilt; emitter-appended) ---
"""Pipeline reference for scband-graph-conv-sparse-59081570123779 (READ-ONLY COPY).

The authoritative reference and input builder live on the scoring server;
editing this copy changes nothing except your own understanding.
"""

import jax, jax.numpy as jnp
import numpy as np

N = 10000
E = 320000
DIN = 128
DOUT = 128

def _xavier_uniform(key, fan_in, fan_out):
    limit = float(np.sqrt(6.0 / (fan_in + fan_out)))
    return jax.random.uniform(key, (fan_in, fan_out), dtype=jnp.float32, minval=-limit, maxval=limit)

def setup_inputs(seed: int = 0) -> dict:
    key = jax.random.key(seed)
    k1, k2, k3 = jax.random.split(key, 3)
    inputs = jax.random.normal(k1, (N, DIN), dtype=jnp.float32)
    edge_index = jax.random.randint(k2, (2, E), 0, N, dtype=jnp.int32)
    weight = _xavier_uniform(k3, DIN, DOUT)
    return {"inputs": inputs, "edge_index": edge_index, "weight": weight}

def reference(inputs, edge_index, weight):
    # x = inputs @ W
    x = jnp.dot(inputs, weight)
    # sparse adjacency (values=1) matmul: out[i] = sum over edges (i=dst, j=src) of x[j]
    dst = edge_index[0]
    src = edge_index[1]
    agg = jnp.zeros((inputs.shape[0], x.shape[1]), dtype=x.dtype).at[dst].add(x[src])
    # activation = sigmoid (default)
    return jax.nn.sigmoid(agg)

if __name__ == "__main__":
    import jax
    _d = setup_inputs()
    print(jax.jit(kernel)(*tuple(_d.values())))

</pallas_src>

<mosaic_0001>
#map = affine_map<(d0, d1) -> (0, 0)>
#map1 = affine_map<(d0, d1) -> (0, 0, 0)>
module attributes {stable_mosaic.version = 14 : i64} {
  func.func @_sc_scatter_body(%arg0: i32, %arg1: i32, %arg2: memref<10000x64xi32, #tpu.memory_space<hbm>>, %arg3: memref<2x320000xi32, #tpu.memory_space<hbm>>, %arg4: memref<2x20000x64xi32, #tpu.memory_space<hbm>>, %arg5: memref<10000xi32, #tpu.memory_space<vmem>>, %arg6: memref<10000xi32, #tpu.memory_space<vmem>>, %arg7: memref<5x160xi32, #tpu.memory_space<vmem>>, %arg8: memref<5x80x64xi32, #tpu.memory_space<vmem>>, %arg9: memref<256x64xi32, #tpu.memory_space<vmem>>, %arg10: memref<16x64xi32, #tpu.memory_space<vmem_shared>>, %arg11: memref<!tpu.dma_semaphore, #tpu.memory_space<semaphore_mem>>, %arg12: memref<!tpu.dma_semaphore, #tpu.memory_space<semaphore_mem>>, %arg13: memref<!tpu.dma_semaphore, #tpu.memory_space<semaphore_mem>>, %arg14: memref<!tpu.dma_semaphore, #tpu.memory_space<semaphore_mem>>, %arg15: memref<!tpu.dma_semaphore, #tpu.memory_space<semaphore_mem>>, %arg16: memref<!tpu.dma_semaphore, #tpu.memory_space<semaphore_mem>>, %arg17: memref<!tpu.dma_semaphore, #tpu.memory_space<semaphore_mem>>, %arg18: memref<!tpu.dma_semaphore, #tpu.memory_space<semaphore_mem>>, %arg19: memref<!tpu.dma_semaphore, #tpu.memory_space<semaphore_mem>>, %arg20: memref<!tpu.dma_semaphore, #tpu.memory_space<semaphore_mem>>) attributes {dimension_semantics = [#tpu.dimension_semantics<core_parallel>, #tpu.dimension_semantics<subcore_parallel>], iteration_bounds = array<i64: 2, 16>, scalar_prefetch = 0 : i64, scratch_operands = 16 : i64, tpu.core_type = #tpu.core_type<sc_vector_subcore>, window_params = [{transform_indices = #map}, {transform_indices = #map}, {transform_indices = #map1}]} {
    %scan3A = arith.constant 0 : i32
    %scan3A_0 = arith.constant 0 : i32
    %scan3A_1 = arith.constant 256 : i32
    %scan3A_2 = arith.addi %scan3A_0, %scan3A_1 : i32
    %scan3A_3 = arith.constant 1 : i32
    %scan3A_4 = scf.for %scan3A_113 = %scan3A_0 to %scan3A_2 step %scan3A_3 iter_args(%scan3A_114 = %scan3A) -> (i32)  : i32 {
      %scan3A_115 = arith.constant 0 : i32
      %scan3A_116 = arith.constant 0 : i32
      %scan3A_117 = arith.constant 2 : i32
      %scan3A_118 = arith.addi %scan3A_116, %scan3A_117 : i32
      %scan3A_119 = arith.constant 1 : i32
      %scan3A_120 = scf.for %scan3A_122 = %scan3A_116 to %scan3A_118 step %scan3A_119 iter_args(%scan3A_123 = %scan3A_115) -> (i32)  : i32 {
        %broadcast_in_dim3A = arith.constant 0 : i32
        %broadcast_in_dim3A_124 = vector.broadcast %broadcast_in_dim3A : i32 to vector<16xi32>
        %mul3A_125 = arith.constant 16 : i32
        %mul3A_126 = arith.muli %scan3A_122, %mul3A_125 : i32
        %swap3A = arith.index_cast %scan3A_113 : i32 to index
        %swap3A_127 = arith.index_cast %mul3A_126 : i32 to index
        %swap3A_128 = tpu.vector_load %arg9[%swap3A, %swap3A_127] {strides = array<i32>} : memref<256x64xi32, #tpu.memory_space<vmem>>, vector<1x16xi32>,
        %swap3A_129 = vector.shape_cast %swap3A_128 : vector<1x16xi32> to vector<16xi32>
        %swap3A_130 = vector.shape_cast %broadcast_in_dim3A_124 : vector<16xi32> to vector<1x16xi32>
        tpu.vector_store %arg9[%swap3A, %swap3A_127], %swap3A_130 {strides = array<i32>} : memref<256x64xi32, #tpu.memory_space<vmem>>, vector<1x16xi32>,
        %scan3A_131 = arith.constant 0 : i32
        scf.yield %scan3A_131 : i32
      }
      %scan3A_121 = arith.constant 2 : i32
      scf.yield %scan3A_120 : i32
    }
    %scan3A_5 = arith.constant 256 : i32
    %add3A = arith.constant 0 : i32
    %add3A_6 = arith.addi %arg1, %add3A : i32
    %mul3A = arith.constant 128 : i32
    %mul3A_7 = arith.muli %add3A_6, %mul3A : i32
    %multiple_of3A = tpu.assume_multiple %mul3A_7, 128 : i32
    %add3A_8 = arith.constant 16 : i32
    %add3A_9 = arith.addi %arg1, %add3A_8 : i32
    %mul3A_10 = arith.constant 128 : i32
    %mul3A_11 = arith.muli %add3A_9, %mul3A_10 : i32
    %multiple_of3A_12 = tpu.assume_multiple %mul3A_11, 128 : i32
    %add3A_13 = arith.constant 32 : i32
    %add3A_14 = arith.addi %arg1, %add3A_13 : i32
    %mul3A_15 = arith.constant 128 : i32
    %mul3A_16 = arith.muli %add3A_14, %mul3A_15 : i32
    %multiple_of3A_17 = tpu.assume_multiple %mul3A_16, 128 : i32
    %add3A_18 = arith.constant 48 : i32
    %add3A_19 = arith.addi %arg1, %add3A_18 : i32
    %mul3A_20 = arith.constant 128 : i32
    %mul3A_21 = arith.muli %add3A_19, %mul3A_20 : i32
    %multiple_of3A_22 = tpu.assume_multiple %mul3A_21, 128 : i32
    %lt3A = arith.constant 14 : i32
    %lt3A_23 = arith.cmpi slt, %arg1, %lt3A : i32
    %convert_element_type3A = arith.extui %lt3A_23 : i1 to i32
    %cond3A = arith.constant 0 : i32
    %cond3A_24 = arith.cmpi ne, %convert_element_type3A, %cond3A : i32
    scf.if %cond3A_24 {
      %add3A_113 = arith.constant 64 : i32
      %add3A_114 = arith.addi %arg1, %add3A_113 : i32
      %mul3A_115 = arith.constant 128 : i32
      %mul3A_116 = arith.muli %add3A_114, %mul3A_115 : i32
      %multiple_of3A_117 = tpu.assume_multiple %mul3A_116, 128 : i32
    } else {
    }
    %eq3A = arith.constant 14 : i32
    %eq3A_25 = arith.cmpi eq, %arg1, %eq3A : i32
    %convert_element_type3A_26 = arith.extui %eq3A_25 : i1 to i32
    %cond3A_27 = arith.constant 0 : i32
    %cond3A_28 = arith.cmpi ne, %convert_element_type3A_26, %cond3A_27 : i32
    scf.if %cond3A_28 {
    } else {
    }
    %barrier3A = arith.constant 0 : index
    tpu.barrier barrier_id(%barrier3A)
    %mul3A_29 = arith.constant 16 : i32
    %mul3A_30 = arith.muli %arg0, %mul3A_29 : i32
    %add3A_31 = arith.addi %mul3A_30, %arg1 : i32
    %mul3A_32 = arith.constant 10000 : i32
    %mul3A_33 = arith.muli %add3A_31, %mul3A_32 : i32
    %multiple_of3A_34 = tpu.assume_multiple %mul3A_33, 8 : i32
    %run_scoped3A = arith.constant 1 : i32
    "tpu.region"() ({
      %run_scoped3A_113 = tpu.sem_alloc : memref<!tpu.dma_semaphore, #tpu.memory_space<semaphore_mem>>
      %dma_start3A_114 = tpu.memref_slice %arg3[%run_scoped3A, %multiple_of3A_34] : memref<2x320000xi32, #tpu.memory_space<hbm>> -> memref<1x10000xi32, #tpu.memory_space<hbm>>
      %dma_start3A_115 = tpu.memref_squeeze %dma_start3A_114 : memref<1x10000xi32, #tpu.memory_space<hbm>> -> memref<10000xi32, #tpu.memory_space<hbm>>
      %dma_start3A_116 = tpu.memref_slice %arg3[%run_scoped3A, %multiple_of3A_34] : memref<2x320000xi32, #tpu.memory_space<hbm>> -> memref<1x10000xi32, #tpu.memory_space<hbm>>
      %dma_start3A_117 = tpu.memref_squeeze %dma_start3A_116 : memref<1x10000xi32, #tpu.memory_space<hbm>> -> memref<10000xi32, #tpu.memory_space<hbm>>
      tpu.enqueue_dma source(%dma_start3A_117 : memref<10000xi32, #tpu.memory_space<hbm>>) target(%arg5 : memref<10000xi32, #tpu.memory_space<vmem>>) target_semaphore(%run_scoped3A_113 : memref<!tpu.dma_semaphore, #tpu.memory_space<semaphore_mem>>)
      %dma_wait3A = tpu.memref_slice %arg3[%run_scoped3A, %multiple_of3A_34] : memref<2x320000xi32, #tpu.memory_space<hbm>> -> memref<1x10000xi32, #tpu.memory_space<hbm>>
      %dma_wait3A_118 = tpu.memref_squeeze %dma_wait3A : memref<1x10000xi32, #tpu.memory_space<hbm>> -> memref<10000xi32, #tpu.memory_space<hbm>>
      %dma_wait3A_119 = tpu.memref_slice %arg3[%run_scoped3A, %multiple_of3A_34] : memref<2x320000xi32, #tpu.memory_space<hbm>> -> memref<1x10000xi32, #tpu.memory_space<hbm>>
      %dma_wait3A_120 = tpu.memref_squeeze %dma_wait3A_119 : memref<1x10000xi32, #tpu.memory_space<hbm>> -> memref<10000xi32, #tpu.memory_space<hbm>>
      tpu.wait_dma2 semaphore(%run_scoped3A_113 : memref<!tpu.dma_semaphore, #tpu.memory_space<semaphore_mem>>) src(%dma_wait3A_120 : memref<10000xi32, #tpu.memory_space<hbm>>) dst(%arg5 : memref<10000xi32, #tpu.memory_space<vmem>>)
      tpu.yield
    }) : () -> ()
    %run_scoped3A_35 = arith.constant 0 : i32
    "tpu.region"() ({
      %run_scoped3A_113 = tpu.sem_alloc : memref<!tpu.dma_semaphore, #tpu.memory_space<semaphore_mem>>
      %dma_start3A_114 = tpu.memref_slice %arg3[%run_scoped3A_35, %multiple_of3A_34] : memref<2x320000xi32, #tpu.memory_space<hbm>> -> memref<1x10000xi32, #tpu.memory_space<hbm>>
      %dma_start3A_115 = tpu.memref_squeeze %dma_start3A_114 : memref<1x10000xi32, #tpu.memory_space<hbm>> -> memref<10000xi32, #tpu.memory_space<hbm>>
      %dma_start3A_116 = tpu.memref_slice %arg3[%run_scoped3A_35, %multiple_of3A_34] : memref<2x320000xi32, #tpu.memory_space<hbm>> -> memref<1x10000xi32, #tpu.memory_space<hbm>>
      %dma_start3A_117 = tpu.memref_squeeze %dma_start3A_116 : memref<1x10000xi32, #tpu.memory_space<hbm>> -> memref<10000xi32, #tpu.memory_space<hbm>>
      tpu.enqueue_dma source(%dma_start3A_117 : memref<10000xi32, #tpu.memory_space<hbm>>) target(%arg6 : memref<10000xi32, #tpu.memory_space<vmem>>) target_semaphore(%run_scoped3A_113 : memref<!tpu.dma_semaphore, #tpu.memory_space<semaphore_mem>>)
      %dma_wait3A = tpu.memref_slice %arg3[%run_scoped3A_35, %multiple_of3A_34] : memref<2x320000xi32, #tpu.memory_space<hbm>> -> memref<1x10000xi32, #tpu.memory_space<hbm>>
      %dma_wait3A_118 = tpu.memref_squeeze %dma_wait3A : memref<1x10000xi32, #tpu.memory_space<hbm>> -> memref<10000xi32, #tpu.memory_space<hbm>>
      %dma_wait3A_119 = tpu.memref_slice %arg3[%run_scoped3A_35, %multiple_of3A_34] : memref<2x320000xi32, #tpu.memory_space<hbm>> -> memref<1x10000xi32, #tpu.memory_space<hbm>>
      %dma_wait3A_120 = tpu.memref_squeeze %dma_wait3A_119 : memref<1x10000xi32, #tpu.memory_space<hbm>> -> memref<10000xi32, #tpu.memory_space<hbm>>
      tpu.wait_dma2 semaphore(%run_scoped3A_113 : memref<!tpu.dma_semaphore, #tpu.memory_space<semaphore_mem>>) src(%dma_wait3A_120 : memref<10000xi32, #tpu.memory_space<hbm>>) dst(%arg6 : memref<10000xi32, #tpu.memory_space<vmem>>)
      tpu.yield
    }) : () -> ()
    %iota3A = tpu.iota {dimensions = array<i32: 0>} : vector<16xi32>
    %dma_start3A = arith.constant 0 : i32
    %dma_start3A_36 = arith.constant 0 : i32
    %dma_start3A_37 = arith.constant 0 : i32
    %dma_start3A_38 = tpu.memref_slice %arg8[%dma_start3A, %dma_start3A_36, %dma_start3A_37] : memref<5x80x64xi32, #tpu.memory_space<vmem>> -> memref<1x80x64xi32, #tpu.memory_space<vmem>>
    %dma_start3A_39 = tpu.memref_squeeze %dma_start3A_38 : memref<1x80x64xi32, #tpu.memory_space<vmem>> -> memref<80x64xi32, #tpu.memory_space<vmem>>
    %dma_start3A_40 = arith.constant 0 : i32
    %dma_start3A_41 = tpu.memref_slice %arg5[%dma_start3A_40] : memref<10000xi32, #tpu.memory_space<vmem>> -> memref<80xi32, #tpu.memory_space<vmem>>
    %dma_start3A_42 = arith.constant 0 : i32
    %dma_start3A_43 = arith.constant 0 : i32
    %dma_start3A_44 = tpu.memref_slice %arg2[%dma_start3A_42, %dma_start3A_43] : memref<10000x64xi32, #tpu.memory_space<hbm>> -> memref<10000x64xi32, #tpu.memory_space<hbm>>
    tpu.enqueue_indirect_dma source(%dma_start3A_44 : memref<10000x64xi32, #tpu.memory_space<hbm>>) target(%dma_start3A_39 : memref<80x64xi32, #tpu.memory_space<vmem>>) offsets(%dma_start3A_41 : memref<80xi32, #tpu.memory_space<vmem>>) semaphore(%arg11 : memref<!tpu.dma_semaphore, #tpu.memory_space<semaphore_mem>>)
    %dma_start3A_45 = arith.constant 1 : i32
    %dma_start3A_46 = arith.constant 0 : i32
    %dma_start3A_47 = arith.constant 0 : i32
    %dma_start3A_48 = tpu.memref_slice %arg8[%dma_start3A_45, %dma_start3A_46, %dma_start3A_47] : memref<5x80x64xi32, #tpu.memory_space<vmem>> -> memref<1x80x64xi32, #tpu.memory_space<vmem>>
    %dma_start3A_49 = tpu.memref_squeeze %dma_start3A_48 : memref<1x80x64xi32, #tpu.memory_space<vmem>> -> memref<80x64xi32, #tpu.memory_space<vmem>>
    %dma_start3A_50 = arith.constant 80 : i32
    %dma_start3A_51 = tpu.memref_slice %arg5[%dma_start3A_50] : memref<10000xi32, #tpu.memory_space<vmem>> -> memref<80xi32, #tpu.memory_space<vmem>>
    %dma_start3A_52 = arith.constant 0 : i32
    %dma_start3A_53 = arith.constant 0 : i32
    %dma_start3A_54 = tpu.memref_slice %arg2[%dma_start3A_52, %dma_start3A_53] : memref<10000x64xi32, #tpu.memory_space<hbm>> -> memref<10000x64xi32, #tpu.memory_space<hbm>>
    tpu.enqueue_indirect_dma source(%dma_start3A_54 : memref<10000x64xi32, #tpu.memory_space<hbm>>) target(%dma_start3A_49 : memref<80x64xi32, #tpu.memory_space<vmem>>) offsets(%dma_start3A_51 : memref<80xi32, #tpu.memory_space<vmem>>) semaphore(%arg12 : memref<!tpu.dma_semaphore, #tpu.memory_space<semaphore_mem>>)
    %dma_start3A_55 = arith.constant 2 : i32
    %dma_start3A_56 = arith.constant 0 : i32
    %dma_start3A_57 = arith.constant 0 : i32
    %dma_start3A_58 = tpu.memref_slice %arg8[%dma_start3A_55, %dma_start3A_56, %dma_start3A_57] : memref<5x80x64xi32, #tpu.memory_space<vmem>> -> memref<1x80x64xi32, #tpu.memory_space<vmem>>
    %dma_start3A_59 = tpu.memref_squeeze %dma_start3A_58 : memref<1x80x64xi32, #tpu.memory_space<vmem>> -> memref<80x64xi32, #tpu.memory_space<vmem>>
    %dma_start3A_60 = arith.constant 160 : i32
    %dma_start3A_61 = tpu.memref_slice %arg5[%dma_start3A_60] : memref<10000xi32, #tpu.memory_space<vmem>> -> memref<80xi32, #tpu.memory_space<vmem>>
    %dma_start3A_62 = arith.constant 0 : i32
    %dma_start3A_63 = arith.constant 0 : i32
    %dma_start3A_64 = tpu.memref_slice %arg2[%dma_start3A_62, %dma_start3A_63] : memref<10000x64xi32, #tpu.memory_space<hbm>> -> memref<10000x64xi32, #tpu.memory_space<hbm>>
    tpu.enqueue_indirect_dma source(%dma_start3A_64 : memref<10000x64xi32, #tpu.memory_space<hbm>>) target(%dma_start3A_59 : memref<80x64xi32, #tpu.memory_space<vmem>>) offsets(%dma_start3A_61 : memref<80xi32, #tpu.memory_space<vmem>>) semaphore(%arg13 : memref<!tpu.dma_semaphore, #tpu.memory_space<semaphore_mem>>)
    %dma_start3A_65 = arith.constant 3 : i32
    %dma_start3A_66 = arith.constant 0 : i32
    %dma_start3A_67 = arith.constant 0 : i32
    %dma_start3A_68 = tpu.memref_slice %arg8[%dma_start3A_65, %dma_start3A_66, %dma_start3A_67] : memref<5x80x64xi32, #tpu.memory_space<vmem>> -> memref<1x80x64xi32, #tpu.memory_space<vmem>>
    %dma_start3A_69 = tpu.memref_squeeze %dma_start3A_68 : memref<1x80x64xi32, #tpu.memory_space<vmem>> -> memref<80x64xi32, #tpu.memory_space<vmem>>
    %dma_start3A_70 = arith.constant 240 : i32
    %dma_start3A_71 = tpu.memref_slice %arg5[%dma_start3A_70] : memref<10000xi32, #tpu.memory_space<vmem>> -> memref<80xi32, #tpu.memory_space<vmem>>
    %dma_start3A_72 = arith.constant 0 : i32
    %dma_start3A_73 = arith.constant 0 : i32
    %dma_start3A_74 = tpu.memref_slice %arg2[%dma_start3A_72, %dma_start3A_73] : memref<10000x64xi32, #tpu.memory_space<hbm>> -> memref<10000x64xi32, #tpu.memory_space<hbm>>
    tpu.enqueue_indirect_dma source(%dma_start3A_74 : memref<10000x64xi32, #tpu.memory_space<hbm>>) target(%dma_start3A_69 : memref<80x64xi32, #tpu.memory_space<vmem>>) offsets(%dma_start3A_71 : memref<80xi32, #tpu.memory_space<vmem>>) semaphore(%arg14 : memref<!tpu.dma_semaphore, #tpu.memory_space<semaphore_mem>>)
    %scan3A_75 = arith.constant 0 : i32
    %scan3A_76 = arith.constant 0 : i32
    %scan3A_77 = arith.constant 25 : i32
    %scan3A_78 = arith.addi %scan3A_76, %scan3A_77 : i32
    %scan3A_79 = arith.constant 1 : i32
    %scan3A_80 = scf.for %scan3A_113 = %scan3A_76 to %scan3A_78 step %scan3A_79 iter_args(%scan3A_114 = %scan3A_75) -> (i32)  : i32 {
      %mul3A_115 = arith.constant 5 : i32
      %mul3A_116 = arith.muli %scan3A_113, %mul3A_115 : i32
      %add3A_117 = arith.constant 0 : i32
      %add3A_118 = arith.addi %mul3A_116, %add3A_117 : i32
      %mul3A_119 = arith.constant 80 : i32
      %mul3A_120 = arith.muli %add3A_118, %mul3A_119 : i32
      %dma_wait3A = arith.constant 0 : i32
      %dma_wait3A_121 = arith.constant 0 : i32
      %dma_wait3A_122 = arith.constant 0 : i32
      %dma_wait3A_123 = tpu.memref_slice %arg8[%dma_wait3A, %dma_wait3A_121, %dma_wait3A_122] : memref<5x80x64xi32, #tpu.memory_space<vmem>> -> memref<1x80x64xi32, #tpu.memory_space<vmem>>
      %dma_wait3A_124 = tpu.memref_squeeze %dma_wait3A_123 : memref<1x80x64xi32, #tpu.memory_space<vmem>> -> memref<80x64xi32, #tpu.memory_space<vmem>>
      %dma_wait3A_125 = tpu.memref_slice %arg5[%mul3A_120] : memref<10000xi32, #tpu.memory_space<vmem>> -> memref<80xi32, #tpu.memory_space<vmem>>
      %dma_wait3A_126 = arith.constant 0 : i32
      %dma_wait3A_127 = arith.constant 0 : i32
      %dma_wait3A_128 = tpu.memref_slice %arg2[%dma_wait3A_126, %dma_wait3A_127] : memref<10000x64xi32, #tpu.memory_space<hbm>> -> memref<10000x64xi32, #tpu.memory_space<hbm>>
      tpu.wait_indirect_dma semaphore(%arg11 : memref<!tpu.dma_semaphore, #tpu.memory_space<semaphore_mem>>) src(%dma_wait3A_128 : memref<10000x64xi32, #tpu.memory_space<hbm>>) dst(%dma_wait3A_124 : memref<80x64xi32, #tpu.memory_space<vmem>>)
      %ge3A = arith.constant 1 : i32
      %ge3A_129 = arith.cmpi sge, %add3A_118, %ge3A : i32
      %convert_element_type3A_130 = arith.extui %ge3A_129 : i1 to i32
      %cond3A_131 = arith.constant 0 : i32
      %cond3A_132 = arith.cmpi ne, %convert_element_type3A_130, %cond3A_131 : i32
      scf.if %cond3A_132 {
        %sub3A_258 = arith.constant 1 : i32
        %sub3A_259 = arith.subi %add3A_118, %sub3A_258 : i32
      } else {
      }
      %add3A_133 = arith.constant 5 : i32
      %add3A_134 = arith.addi %add3A_118, %add3A_133 : i32
      %sub3A = arith.constant 1 : i32
      %sub3A_135 = arith.subi %add3A_134, %sub3A : i32
      %lt3A_136 = arith.constant 125 : i32
      %lt3A_137 = arith.cmpi slt, %sub3A_135, %lt3A_136 : i32
      %convert_element_type3A_138 = arith.extui %lt3A_137 : i1 to i32
      %cond3A_139 = arith.constant 0 : i32
      %cond3A_140 = arith.cmpi ne, %convert_element_type3A_138, %cond3A_139 : i32
      scf.if %cond3A_140 {
        %add3A_258 = arith.constant 5 : i32
        %add3A_259 = arith.addi %add3A_118, %add3A_258 : i32
        %sub3A_260 = arith.constant 1 : i32
        %sub3A_261 = arith.subi %add3A_259, %sub3A_260 : i32
        %mul3A_262 = arith.constant 80 : i32
        %mul3A_263 = arith.muli %sub3A_261, %mul3A_262 : i32
        %dma_start3A_264 = arith.constant 4 : i32
        %dma_start3A_265 = arith.constant 0 : i32
        %dma_start3A_266 = arith.constant 0 : i32
        %dma_start3A_267 = tpu.memref_slice %arg8[%dma_start3A_264, %dma_start3A_265, %dma_start3A_266] : memref<5x80x64xi32, #tpu.memory_space<vmem>> -> memref<1x80x64xi32, #tpu.memory_space<vmem>>
        %dma_start3A_268 = tpu.memref_squeeze %dma_start3A_267 : memref<1x80x64xi32, #tpu.memory_space<vmem>> -> memref<80x64xi32, #tpu.memory_space<vmem>>
        %dma_start3A_269 = tpu.memref_slice %arg5[%mul3A_263] : memref<10000xi32, #tpu.memory_space<vmem>> -> memref<80xi32, #tpu.memory_space<vmem>>
        %dma_start3A_270 = arith.constant 0 : i32
        %dma_start3A_271 = arith.constant 0 : i32
        %dma_start3A_272 = tpu.memref_slice %arg2[%dma_start3A_270, %dma_start3A_271] : memref<10000x64xi32, #tpu.memory_space<hbm>> -> memref<10000x64xi32, #tpu.memory_space<hbm>>
        tpu.enqueue_indirect_dma source(%dma_start3A_272 : memref<10000x64xi32, #tpu.memory_space<hbm>>) target(%dma_start3A_268 : memref<80x64xi32, #tpu.memory_space<vmem>>) offsets(%dma_start3A_269 : memref<80xi32, #tpu.memory_space<vmem>>) semaphore(%arg15 : memref<!tpu.dma_semaphore, #tpu.memory_space<semaphore_mem>>)
      } else {
      }
      %mul3A_141 = arith.constant 5 : i32
      %mul3A_142 = arith.muli %scan3A_113, %mul3A_141 : i32
      %add3A_143 = arith.constant 1 : i32
      %add3A_144 = arith.addi %mul3A_142, %add3A_143 : i32
      %mul3A_145 = arith.constant 80 : i32
      %mul3A_146 = arith.muli %add3A_144, %mul3A_145 : i32
      %dma_wait3A_147 = arith.constant 1 : i32
      %dma_wait3A_148 = arith.constant 0 : i32
      %dma_wait3A_149 = arith.constant 0 : i32
      %dma_wait3A_150 = tpu.memref_slice %arg8[%dma_wait3A_147, %dma_wait3A_148, %dma_wait3A_149] : memref<5x80x64xi32, #tpu.memory_space<vmem>> -> memref<1x80x64xi32, #tpu.memory_space<vmem>>
      %dma_wait3A_151 = tpu.memref_squeeze %dma_wait3A_150 : memref<1x80x64xi32, #tpu.memory_space<vmem>> -> memref<80x64xi32, #tpu.memory_space<vmem>>
      %dma_wait3A_152 = tpu.memref_slice %arg5[%mul3A_146] : memref<10000xi32, #tpu.memory_space<vmem>> -> memref<80xi32, #tpu.memory_space<vmem>>
      %dma_wait3A_153 = arith.constant 0 : i32
      %dma_wait3A_154 = arith.constant 0 : i32
      %dma_wait3A_155 = tpu.memref_slice %arg2[%dma_wait3A_153, %dma_wait3A_154] : memref<10000x64xi32, #tpu.memory_space<hbm>> -> memref<10000x64xi32, #tpu.memory_space<hbm>>
      tpu.wait_indirect_dma semaphore(%arg12 : memref<!tpu.dma_semaphore, #tpu.memory_space<semaphore_mem>>) src(%dma_wait3A_155 : memref<10000x64xi32, #tpu.memory_space<hbm>>) dst(%dma_wait3A_151 : memref<80x64xi32, #tpu.memory_space<vmem>>)
      %ge3A_156 = arith.constant 1 : i32
      %ge3A_157 = arith.cmpi sge, %add3A_144, %ge3A_156 : i32
      %convert_element_type3A_158 = arith.extui %ge3A_157 : i1 to i32
      %cond3A_159 = arith.constant 0 : i32
      %cond3A_160 = arith.cmpi ne, %convert_element_type3A_158, %cond3A_159 : i32
      scf.if %cond3A_160 {
        %sub3A_258 = arith.constant 1 : i32
        %sub3A_259 = arith.subi %add3A_144, %sub3A_258 : i32
      } else {
      }
      %add3A_161 = arith.constant 5 : i32
      %add3A_162 = arith.addi %add3A_144, %add3A_161 : i32
      %sub3A_163 = arith.constant 1 : i32
      %sub3A_164 = arith.subi %add3A_162, %sub3A_163 : i32
      %lt3A_165 = arith.constant 125 : i32
      %lt3A_166 = arith.cmpi slt, %sub3A_164, %lt3A_165 : i32
      %convert_element_type3A_167 = arith.extui %lt3A_166 : i1 to i32
      %cond3A_168 = arith.constant 0 : i32
      %cond3A_169 = arith.cmpi ne, %convert_element_type3A_167, %cond3A_168 : i32
      scf.if %cond3A_169 {
        %add3A_258 = arith.constant 5 : i32
        %add3A_259 = arith.addi %add3A_144, %add3A_258 : i32
        %sub3A_260 = arith.constant 1 : i32
        %sub3A_261 = arith.subi %add3A_259, %sub3A_260 : i32
        %mul3A_262 = arith.constant 80 : i32
        %mul3A_263 = arith.muli %sub3A_261, %mul3A_262 : i32
        %dma_start3A_264 = arith.constant 0 : i32
        %dma_start3A_265 = arith.constant 0 : i32
        %dma_start3A_266 = arith.constant 0 : i32
        %dma_start3A_267 = tpu.memref_slice %arg8[%dma_start3A_264, %dma_start3A_265, %dma_start3A_266] : memref<5x80x64xi32, #tpu.memory_space<vmem>> -> memref<1x80x64xi32, #tpu.memory_space<vmem>>
        %dma_start3A_268 = tpu.memref_squeeze %dma_start3A_267 : memref<1x80x64xi32, #tpu.memory_space<vmem>> -> memref<80x64xi32, #tpu.memory_space<vmem>>
        %dma_start3A_269 = tpu.memref_slice %arg5[%mul3A_263] : memref<10000xi32, #tpu.memory_space<vmem>> -> memref<80xi32, #tpu.memory_space<vmem>>
        %dma_start3A_270 = arith.constant 0 : i32
        %dma_start3A_271 = arith.constant 0 : i32
        %dma_start3A_272 = tpu.memref_slice %arg2[%dma_start3A_270, %dma_start3A_271] : memref<10000x64xi32, #tpu.memory_space<hbm>> -> memref<10000x64xi32, #tpu.memory_space<hbm>>
        tpu.enqueue_indirect_dma source(%dma_start3A_272 : memref<10000x64xi32, #tpu.memory_space<hbm>>) target(%dma_start3A_268 : memref<80x64xi32, #tpu.memory_space<vmem>>) offsets(%dma_start3A_269 : memref<80xi32, #tpu.memory_space<vmem>>) semaphore(%arg11 : memref<!tpu.dma_semaphore, #tpu.memory_space<semaphore_mem>>)
      } else {
      }
      %mul3A_170 = arith.constant 5 : i32
      %mul3A_171 = arith.muli %scan3A_113, %mul3A_170 : i32
      %add3A_172 = arith.constant 2 : i32
      %add3A_173 = arith.addi %mul3A_171, %add3A_172 : i32
      %mul3A_174 = arith.constant 80 : i32
      %mul3A_175 = arith.muli %add3A_173, %mul3A_174 : i32
      %dma_wait3A_176 = arith.constant 2 : i32
      %dma_wait3A_177 = arith.constant 0 : i32
      %dma_wait3A_178 = arith.constant 0 : i32
      %dma_wait3A_179 = tpu.memref_slice %arg8[%dma_wait3A_176, %dma_wait3A_177, %dma_wait3A_178] : memref<5x80x64xi32, #tpu.memory_space<vmem>> -> memref<1x80x64xi32, #tpu.memory_space<vmem>>
      %dma_wait3A_180 = tpu.memref_squeeze %dma_wait3A_179 : memref<1x80x64xi32, #tpu.memory_space<vmem>> -> memref<80x64xi32, #tpu.memory_space<vmem>>
      %dma_wait3A_181 = tpu.memref_slice %arg5[%mul3A_175] : memref<10000xi32, #tpu.memory_space<vmem>> -> memref<80xi32, #tpu.memory_space<vmem>>
      %dma_wait3A_182 = arith.constant 0 : i32
      %dma_wait3A_183 = arith.constant 0 : i32
      %dma_wait3A_184 = tpu.memref_slice %arg2[%dma_wait3A_182, %dma_wait3A_183] : memref<10000x64xi32, #tpu.memory_space<hbm>> -> memref<10000x64xi32, #tpu.memory_space<hbm>>
      tpu.wait_indirect_dma semaphore(%arg13 : memref<!tpu.dma_semaphore, #tpu.memory_space<semaphore_mem>>) src(%dma_wait3A_184 : memref<10000x64xi32, #tpu.memory_space<hbm>>) dst(%dma_wait3A_180 : memref<80x64xi32, #tpu.memory_space<vmem>>)
      %ge3A_185 = arith.constant 1 : i32
      %ge3A_186 = arith.cmpi sge, %add3A_173, %ge3A_185 : i32
      %convert_element_type3A_187 = arith.extui %ge3A_186 : i1 to i32
      %cond3A_188 = arith.constant 0 : i32
      %cond3A_189 = arith.cmpi ne, %convert_element_type3A_187, %cond3A_188 : i32
      scf.if %cond3A_189 {
        %sub3A_258 = arith.constant 1 : i32
        %sub3A_259 = arith.subi %add3A_173, %sub3A_258 : i32
      } else {
      }
      %add3A_190 = arith.constant 5 : i32
      %add3A_191 = arith.addi %add3A_173, %add3A_190 : i32
      %sub3A_192 = arith.constant 1 : i32
      %sub3A_193 = arith.subi %add3A_191, %sub3A_192 : i32
      %lt3A_194 = arith.constant 125 : i32
      %lt3A_195 = arith.cmpi slt, %sub3A_193, %lt3A_194 : i32
      %convert_element_type3A_196 = arith.extui %lt3A_195 : i1 to i32
      %cond3A_197 = arith.constant 0 : i32
      %cond3A_198 = arith.cmpi ne, %convert_element_type3A_196, %cond3A_197 : i32
      scf.if %cond3A_198 {
        %add3A_258 = arith.constant 5 : i32
        %add3A_259 = arith.addi %add3A_173, %add3A_258 : i32
        %sub3A_260 = arith.constant 1 : i32
        %sub3A_261 = arith.subi %add3A_259, %sub3A_260 : i32
        %mul3A_262 = arith.constant 80 : i32
        %mul3A_263 = arith.muli %sub3A_261, %mul3A_262 : i32
        %dma_start3A_264 = arith.constant 1 : i32
        %dma_start3A_265 = arith.constant 0 : i32
        %dma_start3A_266 = arith.constant 0 : i32
        %dma_start3A_267 = tpu.memref_slice %arg8[%dma_start3A_264, %dma_start3A_265, %dma_start3A_266] : memref<5x80x64xi32, #tpu.memory_space<vmem>> -> memref<1x80x64xi32, #tpu.memory_space<vmem>>
        %dma_start3A_268 = tpu.memref_squeeze %dma_start3A_267 : memref<1x80x64xi32, #tpu.memory_space<vmem>> -> memref<80x64xi32, #tpu.memory_space<vmem>>
        %dma_start3A_269 = tpu.memref_slice %arg5[%mul3A_263] : memref<10000xi32, #tpu.memory_space<vmem>> -> memref<80xi32, #tpu.memory_space<vmem>>
        %dma_start3A_270 = arith.constant 0 : i32
        %dma_start3A_271 = arith.constant 0 : i32
        %dma_start3A_272 = tpu.memref_slice %arg2[%dma_start3A_270, %dma_start3A_271] : memref<10000x64xi32, #tpu.memory_space<hbm>> -> memref<10000x64xi32, #tpu.memory_space<hbm>>
        tpu.enqueue_indirect_dma source(%dma_start3A_272 : memref<10000x64xi32, #tpu.memory_space<hbm>>) target(%dma_start3A_268 : memref<80x64xi32, #tpu.memory_space<vmem>>) offsets(%dma_start3A_269 : memref<80xi32, #tpu.memory_space<vmem>>) semaphore(%arg12 : memref<!tpu.dma_semaphore, #tpu.memory_space<semaphore_mem>>)
      } else {
      }
      %mul3A_199 = arith.constant 5 : i32
      %mul3A_200 = arith.muli %scan3A_113, %mul3A_199 : i32
      %add3A_201 = arith.constant 3 : i32
      %add3A_202 = arith.addi %mul3A_200, %add3A_201 : i32
      %mul3A_203 = arith.constant 80 : i32
      %mul3A_204 = arith.muli %add3A_202, %mul3A_203 : i32
      %dma_wait3A_205 = arith.constant 3 : i32
      %dma_wait3A_206 = arith.constant 0 : i32
      %dma_wait3A_207 = arith.constant 0 : i32
      %dma_wait3A_208 = tpu.memref_slice %arg8[%dma_wait3A_205, %dma_wait3A_206, %dma_wait3A_207] : memref<5x80x64xi32, #tpu.memory_space<vmem>> -> memref<1x80x64xi32, #tpu.memory_space<vmem>>
      %dma_wait3A_209 = tpu.memref_squeeze %dma_wait3A_208 : memref<1x80x64xi32, #tpu.memory_space<vmem>> -> memref<80x64xi32, #tpu.memory_space<vmem>>
      %dma_wait3A_210 = tpu.memref_slice %arg5[%mul3A_204] : memref<10000xi32, #tpu.memory_space<vmem>> -> memref<80xi32, #tpu.memory_space<vmem>>
      %dma_wait3A_211 = arith.constant 0 : i32
      %dma_wait3A_212 = arith.constant 0 : i32
      %dma_wait3A_213 = tpu.memref_slice %arg2[%dma_wait3A_211, %dma_wait3A_212] : memref<10000x64xi32, #tpu.memory_space<hbm>> -> memref<10000x64xi32, #tpu.memory_space<hbm>>
      tpu.wait_indirect_dma semaphore(%arg14 : memref<!tpu.dma_semaphore, #tpu.memory_space<semaphore_mem>>) src(%dma_wait3A_213 : memref<10000x64xi32, #tpu.memory_space<hbm>>) dst(%dma_wait3A_209 : memref<80x64xi32, #tpu.memory_space<vmem>>)
      %ge3A_214 = arith.constant 1 : i32
      %ge3A_215 = arith.cmpi sge, %add3A_202, %ge3A_214 : i32
      %convert_element_type3A_216 = arith.extui %ge3A_215 : i1 to i32
      %cond3A_217 = arith.constant 0 : i32
      %cond3A_218 = arith.cmpi ne, %convert_element_type3A_216, %cond3A_217 : i32
      scf.if %cond3A_218 {
        %sub3A_258 = arith.constant 1 : i32
        %sub3A_259 = arith.subi %add3A_202, %sub3A_258 : i32
      } else {
      }
      %add3A_219 = arith.constant 5 : i32
      %add3A_220 = arith.addi %add3A_202, %add3A_219 : i32
      %sub3A_221 = arith.constant 1 : i32
      %sub3A_222 = arith.subi %add3A_220, %sub3A_221 : i32
      %lt3A_223 = arith.constant 125 : i32
      %lt3A_224 = arith.cmpi slt, %sub3A_222, %lt3A_223 : i32
      %convert_element_type3A_225 = arith.extui %lt3A_224 : i1 to i32
      %cond3A_226 = arith.constant 0 : i32
      %cond3A_227 = arith.cmpi ne, %convert_element_type3A_225, %cond3A_226 : i32
      scf.if %cond3A_227 {
        %add3A_258 = arith.constant 5 : i32
        %add3A_259 = arith.addi %add3A_202, %add3A_258 : i32
        %sub3A_260 = arith.constant 1 : i32
        %sub3A_261 = arith.subi %add3A_259, %sub3A_260 : i32
        %mul3A_262 = arith.constant 80 : i32
        %mul3A_263 = arith.muli %sub3A_261, %mul3A_262 : i32
        %dma_start3A_264 = arith.constant 2 : i32
        %dma_start3A_265 = arith.constant 0 : i32
        %dma_start3A_266 = arith.constant 0 : i32
        %dma_start3A_267 = tpu.memref_slice %arg8[%dma_start3A_264, %dma_start3A_265, %dma_start3A_266] : memref<5x80x64xi32, #tpu.memory_space<vmem>> -> memref<1x80x64xi32, #tpu.memory_space<vmem>>
        %dma_start3A_268 = tpu.memref_squeeze %dma_start3A_267 : memref<1x80x64xi32, #tpu.memory_space<vmem>> -> memref<80x64xi32, #tpu.memory_space<vmem>>
        %dma_start3A_269 = tpu.memref_slice %arg5[%mul3A_263] : memref<10000xi32, #tpu.memory_space<vmem>> -> memref<80xi32, #tpu.memory_space<vmem>>
        %dma_start3A_270 = arith.constant 0 : i32
        %dma_start3A_271 = arith.constant 0 : i32
        %dma_start3A_272 = tpu.memref_slice %arg2[%dma_start3A_270, %dma_start3A_271] : memref<10000x64xi32, #tpu.memory_space<hbm>> -> memref<10000x64xi32, #tpu.memory_space<hbm>>
        tpu.enqueue_indirect_dma source(%dma_start3A_272 : memref<10000x64xi32, #tpu.memory_space<hbm>>) target(%dma_start3A_268 : memref<80x64xi32, #tpu.memory_space<vmem>>) offsets(%dma_start3A_269 : memref<80xi32, #tpu.memory_space<vmem>>) semaphore(%arg13 : memref<!tpu.dma_semaphore, #tpu.memory_space<semaphore_mem>>)
      } else {
      }
      %mul3A_228 = arith.constant 5 : i32
      %mul3A_229 = arith.muli %scan3A_113, %mul3A_228 : i32
      %add3A_230 = arith.constant 4 : i32
      %add3A_231 = arith.addi %mul3A_229, %add3A_230 : i32
      %mul3A_232 = arith.constant 80 : i32
      %mul3A_233 = arith.muli %add3A_231, %mul3A_232 : i32
      %dma_wait3A_234 = arith.constant 4 : i32
      %dma_wait3A_235 = arith.constant 0 : i32
      %dma_wait3A_236 = arith.constant 0 : i32
      %dma_wait3A_237 = tpu.memref_slice %arg8[%dma_wait3A_234, %dma_wait3A_235, %dma_wait3A_236] : memref<5x80x64xi32, #tpu.memory_space<vmem>> -> memref<1x80x64xi32, #tpu.memory_space<vmem>>
      %dma_wait3A_238 = tpu.memref_squeeze %dma_wait3A_237 : memref<1x80x64xi32, #tpu.memory_space<vmem>> -> memref<80x64xi32, #tpu.memory_space<vmem>>
      %dma_wait3A_239 = tpu.memref_slice %arg5[%mul3A_233] : memref<10000xi32, #tpu.memory_space<vmem>> -> memref<80xi32, #tpu.memory_space<vmem>>
      %dma_wait3A_240 = arith.constant 0 : i32
      %dma_wait3A_241 = arith.constant 0 : i32
      %dma_wait3A_242 = tpu.memref_slice %arg2[%dma_wait3A_240, %dma_wait3A_241] : memref<10000x64xi32, #tpu.memory_space<hbm>> -> memref<10000x64xi32, #tpu.memory_space<hbm>>
      tpu.wait_indirect_dma semaphore(%arg15 : memref<!tpu.dma_semaphore, #tpu.memory_space<semaphore_mem>>) src(%dma_wait3A_242 : memref<10000x64xi32, #tpu.memory_space<hbm>>) dst(%dma_wait3A_238 : memref<80x64xi32, #tpu.memory_space<vmem>>)
      %ge3A_243 = arith.constant 1 : i32
      %ge3A_244 = arith.cmpi sge, %add3A_231, %ge3A_243 : i32
      %convert_element_type3A_245 = arith.extui %ge3A_244 : i1 to i32
      %cond3A_246 = arith.constant 0 : i32
      %cond3A_247 = arith.cmpi ne, %convert_element_type3A_245, %cond3A_246 : i32
      scf.if %cond3A_247 {
        %sub3A_258 = arith.constant 1 : i32
        %sub3A_259 = arith.subi %add3A_231, %sub3A_258 : i32
      } else {
      }
      %add3A_248 = arith.constant 5 : i32
      %add3A_249 = arith.addi %add3A_231, %add3A_248 : i32
      %sub3A_250 = arith.constant 1 : i32
      %sub3A_251 = arith.subi %add3A_249, %sub3A_250 : i32
      %lt3A_252 = arith.constant 125 : i32
      %lt3A_253 = arith.cmpi slt, %sub3A_251, %lt3A_252 : i32
      %convert_element_type3A_254 = arith.extui %lt3A_253 : i1 to i32
      %cond3A_255 = arith.constant 0 : i32
      %cond3A_256 = arith.cmpi ne, %convert_element_type3A_254, %cond3A_255 : i32
      scf.if %cond3A_256 {
        %add3A_258 = arith.constant 5 : i32
        %add3A_259 = arith.addi %add3A_231, %add3A_258 : i32
        %sub3A_260 = arith.constant 1 : i32
        %sub3A_261 = arith.subi %add3A_259, %sub3A_260 : i32
        %mul3A_262 = arith.constant 80 : i32
        %mul3A_263 = arith.muli %sub3A_261, %mul3A_262 : i32
        %dma_start3A_264 = arith.constant 3 : i32
        %dma_start3A_265 = arith.constant 0 : i32
        %dma_start3A_266 = arith.constant 0 : i32
        %dma_start3A_267 = tpu.memref_slice %arg8[%dma_start3A_264, %dma_start3A_265, %dma_start3A_266] : memref<5x80x64xi32, #tpu.memory_space<vmem>> -> memref<1x80x64xi32, #tpu.memory_space<vmem>>
        %dma_start3A_268 = tpu.memref_squeeze %dma_start3A_267 : memref<1x80x64xi32, #tpu.memory_space<vmem>> -> memref<80x64xi32, #tpu.memory_space<vmem>>
        %dma_start3A_269 = tpu.memref_slice %arg5[%mul3A_263] : memref<10000xi32, #tpu.memory_space<vmem>> -> memref<80xi32, #tpu.memory_space<vmem>>
        %dma_start3A_270 = arith.constant 0 : i32
        %dma_start3A_271 = arith.constant 0 : i32
        %dma_start3A_272 = tpu.memref_slice %arg2[%dma_start3A_270, %dma_start3A_271] : memref<10000x64xi32, #tpu.memory_space<hbm>> -> memref<10000x64xi32, #tpu.memory_space<hbm>>
        tpu.enqueue_indirect_dma source(%dma_start3A_272 : memref<10000x64xi32, #tpu.memory_space<hbm>>) target(%dma_start3A_268 : memref<80x64xi32, #tpu.memory_space<vmem>>) offsets(%dma_start3A_269 : memref<80xi32, #tpu.memory_space<vmem>>) semaphore(%arg14 : memref<!tpu.dma_semaphore, #tpu.memory_space<semaphore_mem>>)
      } else {
      }
      %scan3A_257 = arith.constant 0 : i32
      scf.yield %scan3A_257 : i32
    }
    %scan3A_81 = arith.constant 25 : i32
    %barrier3A_82 = arith.constant 0 : index
    tpu.barrier barrier_id(%barrier3A_82)
    %add3A_83 = arith.constant 0 : i32
    %add3A_84 = arith.addi %arg1, %add3A_83 : i32
    %mul3A_85 = arith.constant 128 : i32
    %mul3A_86 = arith.muli %add3A_84, %mul3A_85 : i32
    %multiple_of3A_87 = tpu.assume_multiple %mul3A_86, 128 : i32
    %add3A_88 = arith.constant 16 : i32
    %add3A_89 = arith.addi %arg1, %add3A_88 : i32
    %mul3A_90 = arith.constant 128 : i32
    %mul3A_91 = arith.muli %add3A_89, %mul3A_90 : i32
    %multiple_of3A_92 = tpu.assume_multiple %mul3A_91, 128 : i32
    %add3A_93 = arith.constant 32 : i32
    %add3A_94 = arith.addi %arg1, %add3A_93 : i32
    %mul3A_95 = arith.constant 128 : i32
    %mul3A_96 = arith.muli %add3A_94, %mul3A_95 : i32
    %multiple_of3A_97 = tpu.assume_multiple %mul3A_96, 128 : i32
    %add3A_98 = arith.constant 48 : i32
    %add3A_99 = arith.addi %arg1, %add3A_98 : i32
    %mul3A_100 = arith.constant 128 : i32
    %mul3A_101 = arith.muli %add3A_99, %mul3A_100 : i32
    %multiple_of3A_102 = tpu.assume_multiple %mul3A_101, 128 : i32
    %lt3A_103 = arith.constant 14 : i32
    %lt3A_104 = arith.cmpi slt, %arg1, %lt3A_103 : i32
    %convert_element_type3A_105 = arith.extui %lt3A_104 : i1 to i32
    %cond3A_106 = arith.constant 0 : i32
    %cond3A_107 = arith.cmpi ne, %convert_element_type3A_105, %cond3A_106 : i32
    scf.if %cond3A_107 {
      %add3A_113 = arith.constant 64 : i32
      %add3A_114 = arith.addi %arg1, %add3A_113 : i32
      %mul3A_115 = arith.constant 128 : i32
      %mul3A_116 = arith.muli %add3A_114, %mul3A_115 : i32
      %multiple_of3A_117 = tpu.assume_multiple %mul3A_116, 128 : i32
    } else {
    }
    %eq3A_108 = arith.constant 14 : i32
    %eq3A_109 = arith.cmpi eq, %arg1, %eq3A_108 : i32
    %convert_element_type3A_110 = arith.extui %eq3A_109 : i1 to i32
    %cond3A_111 = arith.constant 0 : i32
    %cond3A_112 = arith.cmpi ne, %convert_element_type3A_110, %cond3A_111 : i32
    scf.if %cond3A_112 {
    } else {
    }
    return
  }
}

module attributes {stable_mosaic.version = 14 : i64} {
  func.func @_tc_body(%arg0: i32, %arg1: memref<2x1000x128xi32, #tpu.memory_space<vmem>>, %arg2: memref<128x128xf32, #tpu.memory_space<vmem>>, %arg3: memref<1000x128xf32, #tpu.memory_space<vmem>>) attributes {dimension_semantics = [#tpu.dimension_semantics<arbitrary>], iteration_bounds = array<i64: 10>, scalar_prefetch = 0 : i64, scratch_operands = 0 : i64, tpu.core_type = #tpu.core_type<tc>, window_params = [{transform_indices = @transform_0, window_bounds = array<i64: 2, 1000, 128>}, {pipeline_mode = #tpu.pipeline_mode<synchronous>, transform_indices = @transform_1, window_bounds = array<i64: 128, 128>}, {transform_indices = @transform_2, window_bounds = array<i64: 1000, 128>}]} {
    %get3A = arith.constant 0 : index
    %get3A_0 = arith.constant 0 : index
    %get3A_1 = arith.constant 0 : index
    %get3A_2 = vector.load %arg1[%get3A, %get3A_0, %get3A_1] : memref<2x1000x128xi32, #tpu.memory_space<vmem>>, vector<2x1000x128xi32>
    %convert_element_type3A = arith.sitofp %get3A_2 : vector<2x1000x128xi32> to vector<2x1000x128xf32>
    %slice3A = vector.extract_strided_slice %convert_element_type3A {offsets = [0, 0, 0], sizes = [1, 1000, 128], strides = [1, 1, 1]} : vector<2x1000x128xf32> to vector<1x1000x128xf32>
    %squeeze3A = vector.shape_cast %slice3A : vector<1x1000x128xf32> to vector<1000x128xf32>
    %slice3A_3 = vector.extract_strided_slice %convert_element_type3A {offsets = [1, 0, 0], sizes = [1, 1000, 128], strides = [1, 1, 1]} : vector<2x1000x128xf32> to vector<1x1000x128xf32>
    %squeeze3A_4 = vector.shape_cast %slice3A_3 : vector<1x1000x128xf32> to vector<1000x128xf32>
    %add3A = arith.addf %squeeze3A, %squeeze3A_4 : vector<1000x128xf32>
    %get3A_5 = arith.constant 0 : index
    %get3A_6 = arith.constant 0 : index
    %get3A_7 = vector.load %arg2[%get3A_5, %get3A_6] : memref<128x128xf32, #tpu.memory_space<vmem>>, vector<128x128xf32>
    %dot_general3A = arith.constant dense<0.000000e+00> : vector<1000x128xf32>
    %dot_general3A_8 = tpu.matmul %add3A, %get3A_7, %dot_general3A {dimension_numbers = #tpu.dot_dimension_numbers<[1], [0], [0], [1], [0, 0, 1, 1], [], []>, transpose_lhs_hint = false} : vector<1000x128xf32>, vector<128x128xf32>, vector<1000x128xf32> -> vector<1000x128xf32>
    %logistic3A = arith.negf %dot_general3A_8 : vector<1000x128xf32>
    %logistic3A_9 = math.exp %logistic3A : vector<1000x128xf32>
    %logistic3A_10 = arith.constant 1.000000e+00 : f32
    %logistic3A_11 = vector.broadcast %logistic3A_10 : f32 to vector<1000x128xf32>
    %logistic3A_12 = arith.addf %logistic3A_11, %logistic3A_9 : vector<1000x128xf32>
    %logistic3A_13 = arith.divf %logistic3A_11, %logistic3A_12 : vector<1000x128xf32>
    %swap3A = arith.constant 0 : index
    %swap3A_14 = arith.constant 0 : index
    %swap3A_15 = vector.load %arg3[%swap3A, %swap3A_14] : memref<1000x128xf32, #tpu.memory_space<vmem>>, vector<1000x128xf32>
    tpu.vector_store %arg3[%swap3A, %swap3A_14], %logistic3A_13 {strides = array<i32>} : memref<1000x128xf32, #tpu.memory_space<vmem>>, vector<1000x128xf32>,
    return
  }
  func.func @transform_0(%arg0: i32) -> (i32, i32, i32) {
    %c0_i32 = arith.constant 0 : i32
    %c0_i32_0 = arith.constant 0 : i32
    %c0_i32_1 = arith.constant 0 : i32
    return %c0_i32, %arg0, %c0_i32_0 : i32, i32, i32
  }
  func.func @transform_1(%arg0: i32) -> (i32, i32) {
    %c0_i32 = arith.constant 0 : i32
    %c0_i32_0 = arith.constant 0 : i32
    %c0_i32_1 = arith.constant 0 : i32
    return %c0_i32, %c0_i32_0 : i32, i32
  }
  func.func @transform_2(%arg0: i32) -> (i32, i32) {
    %c0_i32 = arith.constant 0 : i32
    %c0_i32_0 = arith.constant 0 : i32
    return %arg0, %c0_i32 : i32, i32
  }
}

</mosaic_0001>

<sc_bundles>
// kernel: kernel.4.cloned.1.call-start
scs
__scs_entry_jumppad:
0x0: {  	(pc) =	sbr.rel $0x88, $3  }
0x1: {  	(tag) =	ssettag $0x0;
	lr =	simm.s32 $0x1  }
0x2: {  	[smem:$0x3F9E] =	sst lr;
	_ =	strace $0xD0000000  }
0x3: {  	_ = 	snop  }
0x4: {  	_ = 	snop  }
0x5: {  	_ = 	snop  }
0x6: {  	_ = 	snop  }
0x7: {  	_ = 	snop  }
__scs_overlays_trampoline_lowered:
0x8: {  	[smem:$0x3FAD] =	sst s0  }
0x9: {  	[smem:$0x3FAE] =	sst s1  }
0xa: {  	[smem:$0x3FAF] =	sst s2  }
0xb: {  	[smem:$0x3FB0] =	sst s3  }
0xc: {  	[smem:$0x3FB1] =	sst s4  }
0xd: {  	[smem:$0x3FB2] =	sst s5  }
0xe: {  	[smem:$0x3FB3] =	sst s6  }
0xf: {  	[smem:$0x3FB4] =	sst s7  }
0x10: {  	[smem:$0x3FB5] =	sst s8  }
0x11: {  	[smem:$0x3FB6] =	sst s9;
	s0 =	simm.s32 @!p0 $0x0  }
0x12: {  	s1 =	sld [smem:$0x3F9C];
	s0 =	simm.s32 @p0 $0x1  }
0x13: {  	[smem:$0x3FB7] =	sst s0;
	s0 =	simm.s32 @!p1 $0x0  }
0x14: {  	s2 =	sld [smem:$0x3F9B];
	s0 =	simm.s32 @p1 $0x1  }
0x15: {  	[smem:$0x3FB8] =	sst s0;
	s0 =	simm.s32 @!p2 $0x0  }
0x16: {  	s3 =	sld [smem:$0x3FDB];
	s0 =	simm.s32 @p2 $0x1  }
0x17: {  	s4 =	simm.s32 $0x1BF5;
	[smem:$0x3FBA] =	sst s0  }
0x18: {  	s0 =	sld [smem:$0x3F9D];
	_ =	swait.ge [sflag:s4], $0x0  }
0x19: {  	s7 =	sld [smem:$0x3F9E]  }
0x1a: {  	s8 =	sadd.s32 $0xFFFFE003, lr  }
0x1b: {  	s9 =	sadd.s32 $0xFFFFFEF7, lr;
	s5 =	simm.s32 $0xFFFFFFFF;
	p2 =	slt.u32 s8, $0xFFFFF086  }
0x1c: {  	p1 =	slt.u32 s9, $0xF7A;
	s5 =	simm.s32 @!p2 $0x0  }
0x1d: {  	s5 =	simm.s32 @p1 $0x1;
	p0 =	seq.s32 s7, s2  }
0x1e: {  	s7 =	smul.u32 @!p0 $0xF7A, s2;
	p2 =	seq.s32 @!p0 s5, $0x0  }
0x1f: {  	s9 =	smul.u32 $0xF7A, s1;
	s8 =	simm.s32 @!p0 $0x1BF5;
	p2 =	por !p2, p0  }
0x20: {  	[sflag:s8] =	ssyncset.s32 @!p0 $0xFFFFF086;
	s6 =	sadd.s32 @!p0 s3, s7;
	s7 =	simm.s32 @!p0 $0x108  }
0x21: {  	s3 =	sadd.s32 s3, s9;
	s6 =	sadd.s32 @!p0 $0x88, s6;
	s7 =	simm.s32 @p2 $0x1082  }
0x22: {  	[simem:s7], [sflag:s8] =	dma.local @!p0 [hbm:s6], $0xF7A  }
0x23: {  	s9 =	sor.u32 $0xD0000000, s2;
	s6 =	simm.s32 $0x108;
	_ =	swait.ge @!p0 [sflag:s8], $0x0  }
0x24: {  	s3 =	sadd.s32 $0x88, s3;
	s6 =	simm.s32 @!p1 $0x1082;
	[sflag:s4] =	ssyncset.s32 $0xFFFFF086  }
0x25: {  	[simem:s6], [sflag:s4] =	dma.local [hbm:s3], $0xF7A  }
0x26: {  	[smem:$0x3F9E] =	sst s1;
	(tag) =	ssettag s2;
	_ =	strace s9  }
0x27: {  	s1 =	sld [smem:$0x3FAE]  }
0x28: {  	s2 =	sld [smem:$0x3FAF]  }
0x29: {  	s4 =	sld [smem:$0x3FB1]  }
0x2a: {  	p0 =	seq.s32 s5, $0x0;
	s5 =	sld [smem:$0x3FB2]  }
0x2b: {  	s6 =	sld [smem:$0x3FB3]  }
0x2c: {  	s7 =	sld [smem:$0x3FB4]  }
0x2d: {  	s3 =	simm.s32 $0x108;
	s8 =	sld [smem:$0x3FB5]  }
0x2e: {  	s3 =	simm.s32 @!p0 $0x1082;
	s9 =	sld [smem:$0x3FB6]  }
0x2f: {  	lr =	sadd.s32 s0, s3;
	s0 =	sld [smem:$0x3FAD]  }
0x30: {  	s3 =	sld [smem:$0x3FB0]  }
0x31: {  	[smem:$0x3FB9] =	sst s10  }
0x32: {  	s10 =	sld [smem:$0x3FB7];
	_ =	sdelay $0x3  }
0x33: {  	p0 =	seq.s32 s10, $0x1;
	s10 =	sld [smem:$0x3FB9];
	_ =	sdelay $0x3  }
0x34: {  	[smem:$0x3FB9] =	sst s10  }
0x35: {  	s10 =	sld [smem:$0x3FB8];
	_ =	sdelay $0x3  }
0x36: {  	p1 =	seq.s32 s10, $0x1;
	s10 =	sld [smem:$0x3FB9];
	_ =	sdelay $0x3  }
0x37: {  	[smem:$0x3FB9] =	sst s10  }
0x38: {  	s10 =	sld [smem:$0x3FBA]  }
0x39: {  	_ = 	snop;
	(pc) =	sbr.ind lr, $3  }
0x3a: {  	_ = 	snop  }
0x3b: {  	_ = 	snop  }
0x3c: {  	p2 =	seq.s32 s10, $0x1;
	s10 =	sld [smem:$0x3FB9]  }
0x3d: {  	_ =	shalt  }
0x3e: {  	_ =	shalt  }
0x3f: {  	_ =	shalt  }
0x40: {  	_ =	shalt  }
0x41: {  	_ =	shalt  }
0x42: {  	_ =	shalt  }
0x43: {  	_ =	shalt  }
0x44: {  	_ =	shalt  }
0x45: {  	_ =	shalt  }
0x46: {  	_ =	shalt  }
0x47: {  	_ =	shalt  }
0x48: {  	_ =	shalt  }
0x49: {  	_ =	shalt  }
0x4a: {  	_ =	shalt  }
0x4b: {  	_ =	shalt  }
0x4c: {  	_ =	shalt  }
0x4d: {  	_ =	shalt  }
0x4e: {  	_ =	shalt  }
0x4f: {  	_ =	shalt  }
0x50: {  	_ =	shalt  }
0x51: {  	_ =	shalt  }
0x52: {  	_ =	shalt  }
0x53: {  	_ =	shalt  }
0x54: {  	_ =	shalt  }
0x55: {  	_ =	shalt  }
0x56: {  	_ =	shalt  }
0x57: {  	_ =	shalt  }
0x58: {  	_ =	shalt  }
0x59: {  	_ =	shalt  }
0x5a: {  	_ =	shalt  }
0x5b: {  	_ =	shalt  }
0x5c: {  	_ =	shalt  }
0x5d: {  	_ =	shalt  }
0x5e: {  	_ =	shalt  }
0x5f: {  	_ =	shalt  }
0x60: {  	_ =	shalt  }
0x61: {  	_ =	shalt  }
0x62: {  	_ =	shalt  }
0x63: {  	_ =	shalt  }
0x64: {  	_ =	shalt  }
0x65: {  	_ =	shalt  }
0x66: {  	_ =	shalt  }
0x67: {  	_ =	shalt  }
0x68: {  	_ =	shalt  }
0x69: {  	_ =	shalt  }
0x6a: {  	_ =	shalt  }
0x6b: {  	_ =	shalt  }
0x6c: {  	_ =	shalt  }
0x6d: {  	_ =	shalt  }
0x6e: {  	_ =	shalt  }
0x6f: {  	_ =	shalt  }
0x70: {  	_ =	shalt  }
0x71: {  	_ =	shalt  }
0x72: {  	_ =	shalt  }
0x73: {  	_ =	shalt  }
0x74: {  	_ =	shalt  }
0x75: {  	_ =	shalt  }
0x76: {  	_ =	shalt  }
0x77: {  	_ =	shalt  }
0x78: {  	_ =	shalt  }
0x79: {  	_ =	shalt  }
0x7a: {  	_ =	shalt  }
0x7b: {  	_ =	shalt  }
0x7c: {  	_ =	shalt  }
0x7d: {  	_ =	shalt  }
0x7e: {  	_ =	shalt  }
0x7f: {  	_ =	shalt  }
0x80: {  	_ =	shalt  }
0x81: {  	_ =	shalt  }
0x82: {  	_ =	shalt  }
0x83: {  	_ =	shalt  }
0x84: {  	_ =	shalt  }
0x85: {  	_ =	shalt  }
0x86: {  	_ =	shalt  }
0x87: {  	_ =	shalt  }
.Lfunc_end0:
.L_simem_size_0:
called_computation_lowered:
.L_overlay_start_0:
0x88: {  	s2 =	sld [smem:$0x3FD9]  }
0x89: {  	s3 =	sld [smem:$0x3FFE];
	_ =	sdelay $0x1  }
0x8a: {  	s1 =	srdreg.scid  }
0x8b: {  	s0 =	sand.u32 $0x1, s1  }
0x8c: {  	s17 =	sshll.u32 s0, $0xA;
	s2 =	sadd.s32 s3, s2  }
0x8d: {  	s2 =	sadd.s32 s2, s17  }
0x8e: {  	[smem:$0x3FC5] =	sst s2  }
0x8f: {  	_ = 	snop  }
0x90: {  	s2 =	sld [smem:$0x3FD0];
	(tm) =	ssettm $0x1  }
0x91: {  	s18 =	sld [smem:$0x3FFB];
	_ =	sdelay $0x3  }
0x92: {  	_ =	strace s18  }
0x93: {  	s3 =	sld [smem:$0x3FFC];
	_ =	sdelay $0x3  }
0x94: {  	_ =	strace s3  }
0x95: {  	s3 =	sld [smem:$0x3FFD];
	_ =	sdelay $0x3  }
0x96: {  	_ =	strace s3  }
0x97: {  	_ =	strace $0x8FFFFFFF  }
0x98: {  	s19 =	sld [smem:$0x3FDB];
	_ =	sdelay $0x1  }
0x99: {  	s4 =	simm.s32 $_scs_section_size  }
0x9a: {  	s5 =	simm.s32 $_size__tile_overlayer_lowered;
	s6 =	simm.s32 $_tile_overlayer_lowered  }
0x9b: {  	s22 =	simm.s32 $0x1BFF;
	s21 =	sshll.u32 s6, $0x1;
	s3 =	sadd.s32 s4, s19  }
0x9c: {  	s7 =	simm.s32 $0x0;
	s20 =	sshll.u32 s5, $0x1;
	s5 =	sadd.s32 s21, s3  }
0x9d: {  	[timem:s7], [sflag:s22] =	dma.local [hbm:s5], s20  }
0x9e: {  	_ =	swait.ge [sflag:s22], s20  }
0x9f: {  	s4 =	ssub.s32 $0x0, s20;
	[sflag:s22] =	ssyncset.done $0x0  }
0xa0: {  	[sflag:s22] =	ssyncadd.s32 s4;
	_ =	sdelay $0x1  }
0xa1: {  	s23 =	simm.s32 $0x1B8B  }
0xa2: {  	_ =	swait.ge [sflag:s23], $0x1  }
0xa3: {  	[sflag:s23] =	ssyncset.done $0x0  }
0xa4: {  	s25 =	simm.s32 $0x1B8E;
	s24 =	sld [smem:$0x3FFE];
	[sflag:s23] =	ssyncadd.s32 $0xFFFFFFFF  }
0xa5: {  	s26 =	simm.s32 $execute0_lowered;
	[smem:$0x3FD2] =	sst s25  }
0xa6: {  	s5 =	sshll.u32 s26, $0x1;
	_ =	strace $0x80000046;
	[dreg:$0x1] =	wrdreg $0xFFFFFFFF  }
0xa7: {  	s28 =	simm.s32 $_size_execute0_lowered;
	s3 =	sadd.s32 s3, s5;
	[dreg:$0x0] =	wrdreg $0x0  }
0xa8: {  	s5 =	sshll.u32 s28, $0x1;
	[dreg:$0x2] =	wrdreg s3  }
0xa9: {  	[dreg:$0x3] =	wrdreg s5  }
0xaa: {  	[dreg:$0x4] =	wrdreg $0xC0  }
0xab: {  	_ =	task [dreg:s7], $0x5FFFF  }
0xac: {  	[dreg:$0x1] =	wrdreg $0xFFFFFFFF  }
0xad: {  	[dreg:$0x0] =	wrdreg $0x60  }
0xae: {  	[dreg:$0x2] =	wrdreg s2  }
0xaf: {  	[dreg:$0x3] =	wrdreg s24  }
0xb0: {  	[dreg:$0x4] =	wrdreg $0x9  }
0xb1: {  	_ =	task.clear_ibuf [dreg:s7], $0x5FFFF;
	_ =	strace $0x90000046  }
0xb2: {  	s29 =	simm.s32 $0x9;
	_ =	strace $0x80000048  }
0xb3: {  	_ =	swait.ge [sflag:s29], $0x1  }
0xb4: {  	[sflag:s29] =	ssyncadd.s32 $0xFFFFFFFF  }
0xb5: {  	_ =	strace $0x90000048  }
0xb6: {  	_ =	sfence  }
0xb7: {  	s30 =	sld [smem:$0x0];
	_ =	sdelay $0x2  }
0xb8: {  	s31 =	sshll.u32 s1, $0xD;
	s1 =	sshrl.u32 s1, $0x2  }
0xb9: {  	s3 =	sand.u32 $0x4000, s31;
	s1 =	sadd.s32 s1, s30  }
0xba: {  	s0 =	sor.u32 s3, s0;
	s1 =	sshll.u32 s1, $0x11  }
0xbb: {  	s0 =	sor.u32 s1, s0  }
0xbc: {  	s0 =	sadd.s32 $0x8F2B, s0  }
0xbd: {  	[sflag:s0] =	ssyncadd.remote.s32 $0x1  }
0xbe: {  	_ =	sfence.sel $0xFFFF  }
0xbf: {  	[dreg:$0x0] =	wrdreg $0xFFFFFFFF;
	(pc) =	sbr.abs _section_cstart, $3  }
0xc0: {  	[dreg:$0x1] =	wrdreg $0xFFFFFFFF  }
0xc1: {  	_ =	task.clear_ibuf [dreg:s7], $0x2FFFF;
	_ =	strace $0x9FFFFFFF  }
0xc2: {  	(tm) =	ssettm $0x7FFFFFFF  }
0xc3: {  	_ =	shalt  }
tec
execute0_lowered:
.L_overlay_start_1:
0x0: {  	(tag) =	ssettag $0x1  }
0x1: {  	s2 =	rddreg [dreg:$0x0]  }
0x2: {  	s0 =	srdreg.scid;
	s5 =	rddreg [dreg:$0x1];
	s3 =	simm.s32 $0x0  }
0x3: {  	s7 =	simm.s32 $0x6;
	s8 =	simm.s32 $0x2710;
	s9 =	simm.s32 $0x50  }
0x4: {  	s10 =	simm.s32 $0x4E20;
	s11 =	simm.s32 $0x6220;
	s12 =	simm.s32 $0xA0  }
0x5: {  	s13 =	simm.s32 $0x7620;
	s14 =	simm.s32 $0xF0;
	s15 =	simm.s32 $0x8A20  }
0x6: {  	s16 =	simm.s32 $0x1;
	s17 =	simm.s32 $0x9E20;
	s4 =	sand.u32 $0x1, s0  }
0x7: {  	s18 =	simm.s32 $0x2;
	s0 =	stileid.u32;
	s1 =	sshll.u32 s4, $0x4  }
0x8: {  	s19 =	simm.s32 $0x3;
	s20 =	simm.s32 $0x4;
	s1 =	sor.u32 s0, s1  }
0x9: {  	s21 =	simm.s32 $0x5;
	s22 =	simm.s32 $0x26C0;
	s6 =	smul.u32 $0x2710, s1  }
0xa: {  	s23 =	simm.s32 $0x0;
	[smem:$0x7FF] =	sst s3;
	s4 =	ssub.s32 $0x2, s4  }
0xb: {  	s31 =	sshrl.u32 s4, $0x1;
	s1 =	rddreg [dreg:$0x2];
	s6 =	sshrl.u32 s6, $0x3  }
0xc: {  	_ =	strace $0x80000047;
	s5 =	sadd.s32 s6, s5;
	s6 =	ssub.s32 s4, s31  }
0xd: {  	v0 =	vimm.s32 $0x0;
	s4 =	sadd.s32 $0xA240, s5;
	s5 =	sadd.s32 $0x600, s5;
	s6 =	smax.u32 s6, $0x1  }
.LBB2_1:
0xe: {  	s24 =	simm.s32 $0x100;
	s25 =	simm.s32 $0x0  }
.LBB2_2:
0xf: {  	p0 =	sne.s32 s24, $0xFF00;
	[tilespmem:s25+$0xB220] =	vst v0;
	s26 =	smov.u32 s24;
	s24 =	sadd.s32 $0x100, s24  }
.Ltmp0:
0x10: {  	[tilespmem:s25+$0xB230] =	vst v0;
	(pc) =	sbr.rel @p0 .LBB2_2-.Ltmp0, $2  }
0x11: {  	_ =	sdelay $0x2  }
0x12: {  	s25 =	sshra.s32 s26, $0x2  }
0x13: {  	[tilespmem:s25+$0xB220] =	vst v0  }
0x14: {  	[tilespmem:s25+$0xB230] =	vst v0  }
0x15: {  	[bflag:$0x0] =	sbarrier.arrive $0xFFFF  }
0x16: {  	[tilespmem:s3], [sflag:$0x6] =	stream.linear.gather [hbm4b:s4+s3], $0x2710, $0x38;
	[tilespmem:$0xF220] =	vst v63  }
0x17: {  	_ =	swait.ge [sflag:s7], $0x2710  }
0x18: {  	[sflag:s7] =	ssyncset.done $0x0  }
0x19: {  	[sflag:s7] =	ssyncadd.s32 $0xFFFFD8F0  }
0x1a: {  	[tilespmem:s8], [sflag:$0x6] =	stream.linear.gather [hbm4b:s5+s3], $0x2710, $0x38;
	[tilespmem:$0xF220] =	vst v63  }
0x1b: {  	_ =	swait.ge [sflag:s7], $0x2710  }
0x1c: {  	[sflag:s7] =	ssyncset.done $0x0  }
0x1d: {  	[sflag:s7] =	ssyncadd.s32 $0xFFFFD8F0  }
0x1e: {  	[tilespmem:s10], [sflag:$0x1] =	stream.indirect.gather [hbm4b:s2+s9], $0x40, s3, s9, $0xb8;
	[tilespmem:$0xF220] =	vst v63  }
0x1f: {  	_ = 	snop  }
0x20: {  	[tilespmem:s11], [sflag:$0x2] =	stream.indirect.gather [hbm4b:s2+s9], $0x40, s9, s9, $0xb8;
	[tilespmem:$0xF220] =	vst v63  }
0x21: {  	_ = 	snop  }
0x22: {  	[tilespmem:s13], [sflag:$0x3] =	stream.indirect.gather [hbm4b:s2+s9], $0x40, s12, s9, $0xb8;
	[tilespmem:$0xF220] =	vst v63  }
0x23: {  	_ = 	snop  }
0x24: {  	[tilespmem:s15], [sflag:$0x4] =	stream.indirect.gather [hbm4b:s2+s9], $0x40, s14, s9, $0xb8;
	[tilespmem:$0xF220] =	vst v63  }
0x25: {  	_ =	swait.ge [sflag:s16], $0x1400  }
0x26: {  	[sflag:s16] =	ssyncset.done $0x0  }
0x27: {  	s24 =	simm.s32 $0x140;
	[sflag:s16] =	ssyncadd.s32 $0xFFFFEC00  }
0x28: {  	[tilespmem:s17], [sflag:$0x5] =	stream.indirect.gather [hbm4b:s2+s9], $0x40, s24, s9, $0xb8;
	[tilespmem:$0xF220] =	vst v63  }
0x29: {  	_ =	swait.ge [sflag:s18], $0x1400  }
0x2a: {  	[sflag:s18] =	ssyncset.done $0x0  }
0x2b: {  	s29 =	simm.s32 $0x190;
	[sflag:s18] =	ssyncadd.s32 $0xFFFFEC00  }
0x2c: {  	[tilespmem:s10], [sflag:$0x1] =	stream.indirect.gather [hbm4b:s2+s9], $0x40, s29, s9, $0xb8;
	[tilespmem:$0xF220] =	vst v63  }
0x2d: {  	_ =	swait.ge [sflag:s19], $0x1400  }
0x2e: {  	[sflag:s19] =	ssyncset.done $0x0  }
0x2f: {  	s30 =	simm.s32 $0x1E0;
	[sflag:s19] =	ssyncadd.s32 $0xFFFFEC00  }
0x30: {  	[tilespmem:s11], [sflag:$0x2] =	stream.indirect.gather [hbm4b:s2+s9], $0x40, s30, s9, $0xb8;
	[tilespmem:$0xF220] =	vst v63  }
0x31: {  	_ =	swait.ge [sflag:s20], $0x1400  }
0x32: {  	[sflag:s20] =	ssyncset.done $0x0  }
0x33: {  	s31 =	simm.s32 $0x230;
	[sflag:s20] =	ssyncadd.s32 $0xFFFFEC00  }
0x34: {  	[tilespmem:s13], [sflag:$0x3] =	stream.indirect.gather [hbm4b:s2+s9], $0x40, s31, s9, $0xb8;
	[tilespmem:$0xF220] =	vst v63  }
0x35: {  	_ =	swait.ge [sflag:s21], $0x1400  }
0x36: {  	[sflag:s21] =	ssyncset.done $0x0  }
0x37: {  	s25 =	simm.s32 $0x280;
	s24 =	simm.s32 $0xFFFF7040;
	[sflag:s21] =	ssyncadd.s32 $0xFFFFEC00  }
.LBB2_4:
0x38: {  	[tilespmem:s15], [sflag:$0x4] =	stream.indirect.gather [hbm4b:s2+s9], $0x40, s25, s9, $0xb8;
	[tilespmem:$0xF220] =	vst v63  }
0x39: {  	s25 =	smov.u32 s24  }
0x3a: {  	p0 =	sne.s32 s24, $0xFFFFF9C0;
	s24 =	sadd.s32 $0x640, s24;
	_ =	swait.ge [sflag:s16], $0x1400  }
0x3b: {  	s25 =	sshra.s32 s25, $0x2;
	[sflag:s16] =	ssyncset.done $0x0  }
0x3c: {  	s26 =	sadd.s32 $0x26C0, s25;
	[sflag:s16] =	ssyncadd.s32 $0xFFFFEC00  }
0x3d: {  	[tilespmem:s17], [sflag:$0x5] =	stream.indirect.gather [hbm4b:s2+s9], $0x40, s26, s9, $0xb8;
	[tilespmem:$0xF220] =	vst v63  }
0x3e: {  	_ =	swait.ge [sflag:s18], $0x1400  }
0x3f: {  	[sflag:s18] =	ssyncset.done $0x0  }
0x40: {  	s26 =	sadd.s32 $0x2710, s25;
	[sflag:s18] =	ssyncadd.s32 $0xFFFFEC00  }
0x41: {  	[tilespmem:s10], [sflag:$0x1] =	stream.indirect.gather [hbm4b:s2+s9], $0x40, s26, s9, $0xb8;
	[tilespmem:$0xF220] =	vst v63  }
0x42: {  	_ =	swait.ge [sflag:s19], $0x1400  }
0x43: {  	[sflag:s19] =	ssyncset.done $0x0  }
0x44: {  	s26 =	sadd.s32 $0x2760, s25;
	[sflag:s19] =	ssyncadd.s32 $0xFFFFEC00  }
0x45: {  	[tilespmem:s11], [sflag:$0x2] =	stream.indirect.gather [hbm4b:s2+s9], $0x40, s26, s9, $0xb8;
	[tilespmem:$0xF220] =	vst v63  }
0x46: {  	_ =	swait.ge [sflag:s20], $0x1400  }
0x47: {  	[sflag:s20] =	ssyncset.done $0x0  }
.Ltmp1:
0x48: {  	s26 =	sadd.s32 $0x27B0, s25;
	[sflag:s20] =	ssyncadd.s32 $0xFFFFEC00;
	(pc) =	sbr.rel @p0 .LBB2_4-.Ltmp1, $4  }
0x49: {  	[tilespmem:s13], [sflag:$0x3] =	stream.indirect.gather [hbm4b:s2+s9], $0x40, s26, s9, $0xb8;
	[tilespmem:$0xF220] =	vst v63  }
0x4a: {  	_ =	swait.ge [sflag:s21], $0x1400  }
0x4b: {  	[sflag:s21] =	ssyncset.done $0x0  }
0x4c: {  	s25 =	sadd.s32 $0x2800, s25;
	[sflag:s21] =	ssyncadd.s32 $0xFFFFEC00  }
0x4d: {  	[tilespmem:s15], [sflag:$0x4] =	stream.indirect.gather [hbm4b:s2+s9], $0x40, s25, s9, $0xb8;
	[tilespmem:$0xF220] =	vst v63  }
0x4e: {  	_ =	swait.ge [sflag:s16], $0x1400  }
0x4f: {  	[sflag:s16] =	ssyncset.done $0x0  }
0x50: {  	[sflag:s16] =	ssyncadd.s32 $0xFFFFEC00  }
0x51: {  	[tilespmem:s17], [sflag:$0x5] =	stream.indirect.gather [hbm4b:s2+s9], $0x40, s22, s9, $0xb8;
	[tilespmem:$0xF220] =	vst v63  }
0x52: {  	_ =	swait.ge [sflag:s18], $0x1400  }
0x53: {  	[sflag:s18] =	ssyncset.done $0x0  }
0x54: {  	[sflag:s18] =	ssyncadd.s32 $0xFFFFEC00  }
0x55: {  	_ =	swait.ge [sflag:s19], $0x1400  }
0x56: {  	[sflag:s19] =	ssyncset.done $0x0  }
0x57: {  	[sflag:s19] =	ssyncadd.s32 $0xFFFFEC00  }
0x58: {  	_ =	swait.ge [sflag:s20], $0x1400  }
0x59: {  	s23 =	sadd.s32 $0x1, s23;
	[sflag:s20] =	ssyncset.done $0x0  }
0x5a: {  	p0 =	sne.s32 s23, s6;
	[sflag:s20] =	ssyncadd.s32 $0xFFFFEC00  }
.Ltmp2:
0x5b: {  	_ =	swait.ge [sflag:s21], $0x1400;
	(pc) =	sbr.rel @p0 .LBB2_1-.Ltmp2, $3  }
0x5c: {  	[sflag:s21] =	ssyncset.done $0x0  }
0x5d: {  	[sflag:s21] =	ssyncadd.s32 $0xFFFFEC00  }
0x5e: {  	[bflag:$0x0] =	sbarrier.arrive $0xFFFF;
	_ =	sdelay $0x1  }
0x5f: {  	_ =	sfence.sel $0x180000  }
0x60: {  	[bflag:$0x0] =	sbarrier.arrive $0xFFFF  }
0x61: {  	p0 =	sne.s32 s0, $0x0;
	_ =	strace $0x90000047  }
0x62: {  	s0 =	sadd.s32 @!p0 $0x100000, s1;
	[bflag:$0x2] =	sbarrier.arrive $0xFFFF  }
0x63: {  	[sflag:s0] =	ssyncadd.tile.s32 @!p0 $0x1;
	_ =	shalt  }
.Lfunc_end2:
_tile_overlayer_lowered:
.L_overlay_start_2:
0x64: {  	(tag) =	ssettag $0x2  }
0x65: {  	s0 =	rddreg [dreg:$0x0];
	s2 =	stileid.u32  }
0x66: {  	s1 =	rddreg [dreg:$0x1];
	p0 =	sne.s32 s2, $0x0  }
0x67: {  	s3 =	rddreg [dreg:$0x2];
	[bflag:$0x3] =	sbarrier.arrive $0xFFFF;
	s2 =	simm.s32 @!p0 $0x1C06  }
0x68: {  	[timem:s3], [sflag:s2] =	dma.local @!p0 [hbm:s0], s1  }
0x69: {  	s0 =	simm.s32 @!p0 $0x6  }
0x6a: {  	_ =	swait.ge @!p0 [sflag:s0], s1  }
0x6b: {  	s1 =	ssub.s32 @!p0 $0x0, s1;
	[sflag:s0] =	ssyncset.done @!p0 $0x0  }
0x6c: {  	[sflag:s0] =	ssyncadd.s32 @!p0 s1  }
0x6d: {  	[bflag:$0x3] =	sbarrier.arrive $0xFFFF  }
0x6e: {  	_ =	shalt  }

</sc_bundles>
